<compile_context>
chip_gen: v7x
topology: tpu7x:2x2x1
jax: 0.10.2.dev20260603
libtpu: 0.0.44.dev20260713+nightly
codegen_flags: <defaults>
</compile_context>

<pallas_src>
import jax
import jax.numpy as jnp
from jax import lax
from jax.experimental import pallas as pl
from jax.experimental.pallas import tpu as pltpu
from jax.experimental.pallas import tpu_sc as plsc

_ROWS = 8192
_COLS = 1024
_NC = 2
_NS = 16
_NW = _NC * _NS
_ROWS_PER_W = _ROWS // _NW
_BLK = 32
_NBLK = _ROWS_PER_W // _BLK
_NBUF = 3


def _sc_copy_body(w_hbm, o_hbm, *scratch):
    bufs = scratch[:_NBUF]
    sin = scratch[_NBUF:2 * _NBUF]
    wid = lax.axis_index("s") * _NC + lax.axis_index("c")
    base = wid * _ROWS_PER_W

    def in_copy(i, b):
        return pltpu.make_async_copy(
            w_hbm.at[pl.ds(base + i * _BLK, _BLK), :], bufs[b], sin[b])

    def out_copy(i, b):
        return pltpu.sync_copy(
            bufs[b], o_hbm.at[pl.ds(base + i * _BLK, _BLK), :])

    for i in range(min(_NBUF, _NBLK)):
        in_copy(i, i % _NBUF).start()
    for i in range(_NBLK):
        b = i % _NBUF
        in_copy(i, b).wait()
        out_copy(i, b)
        nxt = i + _NBUF
        if nxt < _NBLK:
            in_copy(nxt, b).start()


def kernel(x, W):
    del x
    mesh = plsc.VectorSubcoreMesh(core_axis_name="c", subcore_axis_name="s")
    scratch = (
        [pltpu.VMEM((_BLK, _COLS), jnp.float32)] * _NBUF
        + [pltpu.SemaphoreType.DMA] * _NBUF
    )
    f = pl.kernel(
        _sc_copy_body,
        out_type=jax.ShapeDtypeStruct((_ROWS, _COLS), W.dtype),
        mesh=mesh,
        scratch_types=scratch,
    )
    return f(W)

# --- scband reference (transcript-rebuilt; emitter-appended) ---
"""Pipeline reference for scband-positional-embedding-27238682591960 (READ-ONLY COPY).

The authoritative reference and input builder live on the scoring server;
editing this copy changes nothing except your own understanding.
"""

import jax, jax.numpy as jnp
import numpy as np

MAX_LEN = 8192
EMBED_DIM = 1024
BATCH = 4
SEQ_LEN = 8192


def setup_inputs(seed: int = 0) -> dict:
    key = jax.random.key(seed)
    k_x, k_w = jax.random.split(key)
    x = jax.random.randint(k_x, (BATCH, SEQ_LEN), 0, MAX_LEN, dtype=jnp.int64 if jax.config.jax_enable_x64 else jnp.int32)
    # learnable positional embedding table, init normal(0, 0.75)
    W = jax.random.normal(k_w, (MAX_LEN, EMBED_DIM), dtype=jnp.float32) * 0.75
    return {"x": x, "W": W}


def reference(x, W):
    # forward: seq_len = x.shape[1]; positions = arange(seq_len); return embedding(positions)
    seq_len = x.shape[1]
    positions = jnp.arange(seq_len)
    return jnp.take(W, positions, axis=0)

if __name__ == "__main__":
    import jax
    _d = setup_inputs()
    print(jax.jit(kernel)(*tuple(_d.values())))

</pallas_src>

<mosaic_0001>
#map = affine_map<(d0, d1) -> (0, 0)>
module attributes {stable_mosaic.version = 14 : i64} {
  func.func @_sc_copy_body(%arg0: i32, %arg1: i32, %arg2: memref<8192x1024xf32, #tpu.memory_space<hbm>>, %arg3: memref<8192x1024xf32, #tpu.memory_space<hbm>>, %arg4: memref<32x1024xf32, #tpu.memory_space<vmem>>, %arg5: memref<32x1024xf32, #tpu.memory_space<vmem>>, %arg6: memref<32x1024xf32, #tpu.memory_space<vmem>>, %arg7: memref<!tpu.dma_semaphore, #tpu.memory_space<semaphore_mem>>, %arg8: memref<!tpu.dma_semaphore, #tpu.memory_space<semaphore_mem>>, %arg9: memref<!tpu.dma_semaphore, #tpu.memory_space<semaphore_mem>>) attributes {dimension_semantics = [#tpu.dimension_semantics<core_parallel>, #tpu.dimension_semantics<subcore_parallel>], iteration_bounds = array<i64: 2, 16>, scalar_prefetch = 0 : i64, scratch_operands = 6 : i64, tpu.core_type = #tpu.core_type<sc_vector_subcore>, window_params = [{transform_indices = #map}, {transform_indices = #map}]} {
    %mul3A = arith.constant 2 : i32
    %mul3A_0 = arith.muli %arg1, %mul3A : i32
    %add3A = arith.addi %mul3A_0, %arg0 : i32
    %mul3A_1 = arith.constant 256 : i32
    %mul3A_2 = arith.muli %add3A, %mul3A_1 : i32
    %add3A_3 = arith.constant 0 : i32
    %add3A_4 = arith.addi %mul3A_2, %add3A_3 : i32
    %dma_start3A = arith.constant 0 : i32
    %dma_start3A_5 = tpu.memref_slice %arg2[%add3A_4, %dma_start3A] : memref<8192x1024xf32, #tpu.memory_space<hbm>> -> memref<32x1024xf32, #tpu.memory_space<hbm>>
    %dma_start3A_6 = arith.constant 0 : i32
    %dma_start3A_7 = tpu.memref_slice %arg2[%add3A_4, %dma_start3A_6] : memref<8192x1024xf32, #tpu.memory_space<hbm>> -> memref<32x1024xf32, #tpu.memory_space<hbm>>
    tpu.enqueue_dma source(%dma_start3A_7 : memref<32x1024xf32, #tpu.memory_space<hbm>>) target(%arg4 : memref<32x1024xf32, #tpu.memory_space<vmem>>) target_semaphore(%arg7 : memref<!tpu.dma_semaphore, #tpu.memory_space<semaphore_mem>>)
    %add3A_8 = arith.constant 32 : i32
    %add3A_9 = arith.addi %mul3A_2, %add3A_8 : i32
    %dma_start3A_10 = arith.constant 0 : i32
    %dma_start3A_11 = tpu.memref_slice %arg2[%add3A_9, %dma_start3A_10] : memref<8192x1024xf32, #tpu.memory_space<hbm>> -> memref<32x1024xf32, #tpu.memory_space<hbm>>
    %dma_start3A_12 = arith.constant 0 : i32
    %dma_start3A_13 = tpu.memref_slice %arg2[%add3A_9, %dma_start3A_12] : memref<8192x1024xf32, #tpu.memory_space<hbm>> -> memref<32x1024xf32, #tpu.memory_space<hbm>>
    tpu.enqueue_dma source(%dma_start3A_13 : memref<32x1024xf32, #tpu.memory_space<hbm>>) target(%arg5 : memref<32x1024xf32, #tpu.memory_space<vmem>>) target_semaphore(%arg8 : memref<!tpu.dma_semaphore, #tpu.memory_space<semaphore_mem>>)
    %add3A_14 = arith.constant 64 : i32
    %add3A_15 = arith.addi %mul3A_2, %add3A_14 : i32
    %dma_start3A_16 = arith.constant 0 : i32
    %dma_start3A_17 = tpu.memref_slice %arg2[%add3A_15, %dma_start3A_16] : memref<8192x1024xf32, #tpu.memory_space<hbm>> -> memref<32x1024xf32, #tpu.memory_space<hbm>>
    %dma_start3A_18 = arith.constant 0 : i32
    %dma_start3A_19 = tpu.memref_slice %arg2[%add3A_15, %dma_start3A_18] : memref<8192x1024xf32, #tpu.memory_space<hbm>> -> memref<32x1024xf32, #tpu.memory_space<hbm>>
    tpu.enqueue_dma source(%dma_start3A_19 : memref<32x1024xf32, #tpu.memory_space<hbm>>) target(%arg6 : memref<32x1024xf32, #tpu.memory_space<vmem>>) target_semaphore(%arg9 : memref<!tpu.dma_semaphore, #tpu.memory_space<semaphore_mem>>)
    %add3A_20 = arith.constant 0 : i32
    %add3A_21 = arith.addi %mul3A_2, %add3A_20 : i32
    %dma_wait3A = arith.constant 0 : i32
    %dma_wait3A_22 = tpu.memref_slice %arg2[%add3A_21, %dma_wait3A] : memref<8192x1024xf32, #tpu.memory_space<hbm>> -> memref<32x1024xf32, #tpu.memory_space<hbm>>
    %dma_wait3A_23 = arith.constant 0 : i32
    %dma_wait3A_24 = tpu.memref_slice %arg2[%add3A_21, %dma_wait3A_23] : memref<8192x1024xf32, #tpu.memory_space<hbm>> -> memref<32x1024xf32, #tpu.memory_space<hbm>>
    tpu.wait_dma2 semaphore(%arg7 : memref<!tpu.dma_semaphore, #tpu.memory_space<semaphore_mem>>) src(%dma_wait3A_24 : memref<32x1024xf32, #tpu.memory_space<hbm>>) dst(%arg4 : memref<32x1024xf32, #tpu.memory_space<vmem>>)
    %add3A_25 = arith.constant 0 : i32
    %add3A_26 = arith.addi %mul3A_2, %add3A_25 : i32
    "tpu.region"() ({
      %run_scoped3A = tpu.sem_alloc : memref<!tpu.dma_semaphore, #tpu.memory_space<semaphore_mem>>
      %dma_start3A_113 = arith.constant 0 : i32
      %dma_start3A_114 = tpu.memref_slice %arg3[%add3A_26, %dma_start3A_113] : memref<8192x1024xf32, #tpu.memory_space<hbm>> -> memref<32x1024xf32, #tpu.memory_space<hbm>>
      %dma_start3A_115 = arith.constant 0 : i32
      %dma_start3A_116 = tpu.memref_slice %arg3[%add3A_26, %dma_start3A_115] : memref<8192x1024xf32, #tpu.memory_space<hbm>> -> memref<32x1024xf32, #tpu.memory_space<hbm>>
      tpu.enqueue_dma source(%arg4 : memref<32x1024xf32, #tpu.memory_space<vmem>>) target(%dma_start3A_116 : memref<32x1024xf32, #tpu.memory_space<hbm>>) target_semaphore(%run_scoped3A : memref<!tpu.dma_semaphore, #tpu.memory_space<semaphore_mem>>)
      %dma_wait3A_117 = arith.constant 0 : i32
      %dma_wait3A_118 = tpu.memref_slice %arg3[%add3A_26, %dma_wait3A_117] : memref<8192x1024xf32, #tpu.memory_space<hbm>> -> memref<32x1024xf32, #tpu.memory_space<hbm>>
      %dma_wait3A_119 = arith.constant 0 : i32
      %dma_wait3A_120 = tpu.memref_slice %arg3[%add3A_26, %dma_wait3A_119] : memref<8192x1024xf32, #tpu.memory_space<hbm>> -> memref<32x1024xf32, #tpu.memory_space<hbm>>
      tpu.wait_dma2 semaphore(%run_scoped3A : memref<!tpu.dma_semaphore, #tpu.memory_space<semaphore_mem>>) src(%arg4 : memref<32x1024xf32, #tpu.memory_space<vmem>>) dst(%dma_wait3A_120 : memref<32x1024xf32, #tpu.memory_space<hbm>>)
      tpu.yield
    }) : () -> ()
    %add3A_27 = arith.constant 96 : i32
    %add3A_28 = arith.addi %mul3A_2, %add3A_27 : i32
    %dma_start3A_29 = arith.constant 0 : i32
    %dma_start3A_30 = tpu.memref_slice %arg2[%add3A_28, %dma_start3A_29] : memref<8192x1024xf32, #tpu.memory_space<hbm>> -> memref<32x1024xf32, #tpu.memory_space<hbm>>
    %dma_start3A_31 = arith.constant 0 : i32
    %dma_start3A_32 = tpu.memref_slice %arg2[%add3A_28, %dma_start3A_31] : memref<8192x1024xf32, #tpu.memory_space<hbm>> -> memref<32x1024xf32, #tpu.memory_space<hbm>>
    tpu.enqueue_dma source(%dma_start3A_32 : memref<32x1024xf32, #tpu.memory_space<hbm>>) target(%arg4 : memref<32x1024xf32, #tpu.memory_space<vmem>>) target_semaphore(%arg7 : memref<!tpu.dma_semaphore, #tpu.memory_space<semaphore_mem>>)
    %add3A_33 = arith.constant 32 : i32
    %add3A_34 = arith.addi %mul3A_2, %add3A_33 : i32
    %dma_wait3A_35 = arith.constant 0 : i32
    %dma_wait3A_36 = tpu.memref_slice %arg2[%add3A_34, %dma_wait3A_35] : memref<8192x1024xf32, #tpu.memory_space<hbm>> -> memref<32x1024xf32, #tpu.memory_space<hbm>>
    %dma_wait3A_37 = arith.constant 0 : i32
    %dma_wait3A_38 = tpu.memref_slice %arg2[%add3A_34, %dma_wait3A_37] : memref<8192x1024xf32, #tpu.memory_space<hbm>> -> memref<32x1024xf32, #tpu.memory_space<hbm>>
    tpu.wait_dma2 semaphore(%arg8 : memref<!tpu.dma_semaphore, #tpu.memory_space<semaphore_mem>>) src(%dma_wait3A_38 : memref<32x1024xf32, #tpu.memory_space<hbm>>) dst(%arg5 : memref<32x1024xf32, #tpu.memory_space<vmem>>)
    %add3A_39 = arith.constant 32 : i32
    %add3A_40 = arith.addi %mul3A_2, %add3A_39 : i32
    "tpu.region"() ({
      %run_scoped3A = tpu.sem_alloc : memref<!tpu.dma_semaphore, #tpu.memory_space<semaphore_mem>>
      %dma_start3A_113 = arith.constant 0 : i32
      %dma_start3A_114 = tpu.memref_slice %arg3[%add3A_40, %dma_start3A_113] : memref<8192x1024xf32, #tpu.memory_space<hbm>> -> memref<32x1024xf32, #tpu.memory_space<hbm>>
      %dma_start3A_115 = arith.constant 0 : i32
      %dma_start3A_116 = tpu.memref_slice %arg3[%add3A_40, %dma_start3A_115] : memref<8192x1024xf32, #tpu.memory_space<hbm>> -> memref<32x1024xf32, #tpu.memory_space<hbm>>
      tpu.enqueue_dma source(%arg5 : memref<32x1024xf32, #tpu.memory_space<vmem>>) target(%dma_start3A_116 : memref<32x1024xf32, #tpu.memory_space<hbm>>) target_semaphore(%run_scoped3A : memref<!tpu.dma_semaphore, #tpu.memory_space<semaphore_mem>>)
      %dma_wait3A_117 = arith.constant 0 : i32
      %dma_wait3A_118 = tpu.memref_slice %arg3[%add3A_40, %dma_wait3A_117] : memref<8192x1024xf32, #tpu.memory_space<hbm>> -> memref<32x1024xf32, #tpu.memory_space<hbm>>
      %dma_wait3A_119 = arith.constant 0 : i32
      %dma_wait3A_120 = tpu.memref_slice %arg3[%add3A_40, %dma_wait3A_119] : memref<8192x1024xf32, #tpu.memory_space<hbm>> -> memref<32x1024xf32, #tpu.memory_space<hbm>>
      tpu.wait_dma2 semaphore(%run_scoped3A : memref<!tpu.dma_semaphore, #tpu.memory_space<semaphore_mem>>) src(%arg5 : memref<32x1024xf32, #tpu.memory_space<vmem>>) dst(%dma_wait3A_120 : memref<32x1024xf32, #tpu.memory_space<hbm>>)
      tpu.yield
    }) : () -> ()
    %add3A_41 = arith.constant 128 : i32
    %add3A_42 = arith.addi %mul3A_2, %add3A_41 : i32
    %dma_start3A_43 = arith.constant 0 : i32
    %dma_start3A_44 = tpu.memref_slice %arg2[%add3A_42, %dma_start3A_43] : memref<8192x1024xf32, #tpu.memory_space<hbm>> -> memref<32x1024xf32, #tpu.memory_space<hbm>>
    %dma_start3A_45 = arith.constant 0 : i32
    %dma_start3A_46 = tpu.memref_slice %arg2[%add3A_42, %dma_start3A_45] : memref<8192x1024xf32, #tpu.memory_space<hbm>> -> memref<32x1024xf32, #tpu.memory_space<hbm>>
    tpu.enqueue_dma source(%dma_start3A_46 : memref<32x1024xf32, #tpu.memory_space<hbm>>) target(%arg5 : memref<32x1024xf32, #tpu.memory_space<vmem>>) target_semaphore(%arg8 : memref<!tpu.dma_semaphore, #tpu.memory_space<semaphore_mem>>)
    %add3A_47 = arith.constant 64 : i32
    %add3A_48 = arith.addi %mul3A_2, %add3A_47 : i32
    %dma_wait3A_49 = arith.constant 0 : i32
    %dma_wait3A_50 = tpu.memref_slice %arg2[%add3A_48, %dma_wait3A_49] : memref<8192x1024xf32, #tpu.memory_space<hbm>> -> memref<32x1024xf32, #tpu.memory_space<hbm>>
    %dma_wait3A_51 = arith.constant 0 : i32
    %dma_wait3A_52 = tpu.memref_slice %arg2[%add3A_48, %dma_wait3A_51] : memref<8192x1024xf32, #tpu.memory_space<hbm>> -> memref<32x1024xf32, #tpu.memory_space<hbm>>
    tpu.wait_dma2 semaphore(%arg9 : memref<!tpu.dma_semaphore, #tpu.memory_space<semaphore_mem>>) src(%dma_wait3A_52 : memref<32x1024xf32, #tpu.memory_space<hbm>>) dst(%arg6 : memref<32x1024xf32, #tpu.memory_space<vmem>>)
    %add3A_53 = arith.constant 64 : i32
    %add3A_54 = arith.addi %mul3A_2, %add3A_53 : i32
    "tpu.region"() ({
      %run_scoped3A = tpu.sem_alloc : memref<!tpu.dma_semaphore, #tpu.memory_space<semaphore_mem>>
      %dma_start3A_113 = arith.constant 0 : i32
      %dma_start3A_114 = tpu.memref_slice %arg3[%add3A_54, %dma_start3A_113] : memref<8192x1024xf32, #tpu.memory_space<hbm>> -> memref<32x1024xf32, #tpu.memory_space<hbm>>
      %dma_start3A_115 = arith.constant 0 : i32
      %dma_start3A_116 = tpu.memref_slice %arg3[%add3A_54, %dma_start3A_115] : memref<8192x1024xf32, #tpu.memory_space<hbm>> -> memref<32x1024xf32, #tpu.memory_space<hbm>>
      tpu.enqueue_dma source(%arg6 : memref<32x1024xf32, #tpu.memory_space<vmem>>) target(%dma_start3A_116 : memref<32x1024xf32, #tpu.memory_space<hbm>>) target_semaphore(%run_scoped3A : memref<!tpu.dma_semaphore, #tpu.memory_space<semaphore_mem>>)
      %dma_wait3A_117 = arith.constant 0 : i32
      %dma_wait3A_118 = tpu.memref_slice %arg3[%add3A_54, %dma_wait3A_117] : memref<8192x1024xf32, #tpu.memory_space<hbm>> -> memref<32x1024xf32, #tpu.memory_space<hbm>>
      %dma_wait3A_119 = arith.constant 0 : i32
      %dma_wait3A_120 = tpu.memref_slice %arg3[%add3A_54, %dma_wait3A_119] : memref<8192x1024xf32, #tpu.memory_space<hbm>> -> memref<32x1024xf32, #tpu.memory_space<hbm>>
      tpu.wait_dma2 semaphore(%run_scoped3A : memref<!tpu.dma_semaphore, #tpu.memory_space<semaphore_mem>>) src(%arg6 : memref<32x1024xf32, #tpu.memory_space<vmem>>) dst(%dma_wait3A_120 : memref<32x1024xf32, #tpu.memory_space<hbm>>)
      tpu.yield
    }) : () -> ()
    %add3A_55 = arith.constant 160 : i32
    %add3A_56 = arith.addi %mul3A_2, %add3A_55 : i32
    %dma_start3A_57 = arith.constant 0 : i32
    %dma_start3A_58 = tpu.memref_slice %arg2[%add3A_56, %dma_start3A_57] : memref<8192x1024xf32, #tpu.memory_space<hbm>> -> memref<32x1024xf32, #tpu.memory_space<hbm>>
    %dma_start3A_59 = arith.constant 0 : i32
    %dma_start3A_60 = tpu.memref_slice %arg2[%add3A_56, %dma_start3A_59] : memref<8192x1024xf32, #tpu.memory_space<hbm>> -> memref<32x1024xf32, #tpu.memory_space<hbm>>
    tpu.enqueue_dma source(%dma_start3A_60 : memref<32x1024xf32, #tpu.memory_space<hbm>>) target(%arg6 : memref<32x1024xf32, #tpu.memory_space<vmem>>) target_semaphore(%arg9 : memref<!tpu.dma_semaphore, #tpu.memory_space<semaphore_mem>>)
    %add3A_61 = arith.constant 96 : i32
    %add3A_62 = arith.addi %mul3A_2, %add3A_61 : i32
    %dma_wait3A_63 = arith.constant 0 : i32
    %dma_wait3A_64 = tpu.memref_slice %arg2[%add3A_62, %dma_wait3A_63] : memref<8192x1024xf32, #tpu.memory_space<hbm>> -> memref<32x1024xf32, #tpu.memory_space<hbm>>
    %dma_wait3A_65 = arith.constant 0 : i32
    %dma_wait3A_66 = tpu.memref_slice %arg2[%add3A_62, %dma_wait3A_65] : memref<8192x1024xf32, #tpu.memory_space<hbm>> -> memref<32x1024xf32, #tpu.memory_space<hbm>>
    tpu.wait_dma2 semaphore(%arg7 : memref<!tpu.dma_semaphore, #tpu.memory_space<semaphore_mem>>) src(%dma_wait3A_66 : memref<32x1024xf32, #tpu.memory_space<hbm>>) dst(%arg4 : memref<32x1024xf32, #tpu.memory_space<vmem>>)
    %add3A_67 = arith.constant 96 : i32
    %add3A_68 = arith.addi %mul3A_2, %add3A_67 : i32
    "tpu.region"() ({
      %run_scoped3A = tpu.sem_alloc : memref<!tpu.dma_semaphore, #tpu.memory_space<semaphore_mem>>
      %dma_start3A_113 = arith.constant 0 : i32
      %dma_start3A_114 = tpu.memref_slice %arg3[%add3A_68, %dma_start3A_113] : memref<8192x1024xf32, #tpu.memory_space<hbm>> -> memref<32x1024xf32, #tpu.memory_space<hbm>>
      %dma_start3A_115 = arith.constant 0 : i32
      %dma_start3A_116 = tpu.memref_slice %arg3[%add3A_68, %dma_start3A_115] : memref<8192x1024xf32, #tpu.memory_space<hbm>> -> memref<32x1024xf32, #tpu.memory_space<hbm>>
      tpu.enqueue_dma source(%arg4 : memref<32x1024xf32, #tpu.memory_space<vmem>>) target(%dma_start3A_116 : memref<32x1024xf32, #tpu.memory_space<hbm>>) target_semaphore(%run_scoped3A : memref<!tpu.dma_semaphore, #tpu.memory_space<semaphore_mem>>)
      %dma_wait3A_117 = arith.constant 0 : i32
      %dma_wait3A_118 = tpu.memref_slice %arg3[%add3A_68, %dma_wait3A_117] : memref<8192x1024xf32, #tpu.memory_space<hbm>> -> memref<32x1024xf32, #tpu.memory_space<hbm>>
      %dma_wait3A_119 = arith.constant 0 : i32
      %dma_wait3A_120 = tpu.memref_slice %arg3[%add3A_68, %dma_wait3A_119] : memref<8192x1024xf32, #tpu.memory_space<hbm>> -> memref<32x1024xf32, #tpu.memory_space<hbm>>
      tpu.wait_dma2 semaphore(%run_scoped3A : memref<!tpu.dma_semaphore, #tpu.memory_space<semaphore_mem>>) src(%arg4 : memref<32x1024xf32, #tpu.memory_space<vmem>>) dst(%dma_wait3A_120 : memref<32x1024xf32, #tpu.memory_space<hbm>>)
      tpu.yield
    }) : () -> ()
    %add3A_69 = arith.constant 192 : i32
    %add3A_70 = arith.addi %mul3A_2, %add3A_69 : i32
    %dma_start3A_71 = arith.constant 0 : i32
    %dma_start3A_72 = tpu.memref_slice %arg2[%add3A_70, %dma_start3A_71] : memref<8192x1024xf32, #tpu.memory_space<hbm>> -> memref<32x1024xf32, #tpu.memory_space<hbm>>
    %dma_start3A_73 = arith.constant 0 : i32
    %dma_start3A_74 = tpu.memref_slice %arg2[%add3A_70, %dma_start3A_73] : memref<8192x1024xf32, #tpu.memory_space<hbm>> -> memref<32x1024xf32, #tpu.memory_space<hbm>>
    tpu.enqueue_dma source(%dma_start3A_74 : memref<32x1024xf32, #tpu.memory_space<hbm>>) target(%arg4 : memref<32x1024xf32, #tpu.memory_space<vmem>>) target_semaphore(%arg7 : memref<!tpu.dma_semaphore, #tpu.memory_space<semaphore_mem>>)
    %add3A_75 = arith.constant 128 : i32
    %add3A_76 = arith.addi %mul3A_2, %add3A_75 : i32
    %dma_wait3A_77 = arith.constant 0 : i32
    %dma_wait3A_78 = tpu.memref_slice %arg2[%add3A_76, %dma_wait3A_77] : memref<8192x1024xf32, #tpu.memory_space<hbm>> -> memref<32x1024xf32, #tpu.memory_space<hbm>>
    %dma_wait3A_79 = arith.constant 0 : i32
    %dma_wait3A_80 = tpu.memref_slice %arg2[%add3A_76, %dma_wait3A_79] : memref<8192x1024xf32, #tpu.memory_space<hbm>> -> memref<32x1024xf32, #tpu.memory_space<hbm>>
    tpu.wait_dma2 semaphore(%arg8 : memref<!tpu.dma_semaphore, #tpu.memory_space<semaphore_mem>>) src(%dma_wait3A_80 : memref<32x1024xf32, #tpu.memory_space<hbm>>) dst(%arg5 : memref<32x1024xf32, #tpu.memory_space<vmem>>)
    %add3A_81 = arith.constant 128 : i32
    %add3A_82 = arith.addi %mul3A_2, %add3A_81 : i32
    "tpu.region"() ({
      %run_scoped3A = tpu.sem_alloc : memref<!tpu.dma_semaphore, #tpu.memory_space<semaphore_mem>>
      %dma_start3A_113 = arith.constant 0 : i32
      %dma_start3A_114 = tpu.memref_slice %arg3[%add3A_82, %dma_start3A_113] : memref<8192x1024xf32, #tpu.memory_space<hbm>> -> memref<32x1024xf32, #tpu.memory_space<hbm>>
      %dma_start3A_115 = arith.constant 0 : i32
      %dma_start3A_116 = tpu.memref_slice %arg3[%add3A_82, %dma_start3A_115] : memref<8192x1024xf32, #tpu.memory_space<hbm>> -> memref<32x1024xf32, #tpu.memory_space<hbm>>
      tpu.enqueue_dma source(%arg5 : memref<32x1024xf32, #tpu.memory_space<vmem>>) target(%dma_start3A_116 : memref<32x1024xf32, #tpu.memory_space<hbm>>) target_semaphore(%run_scoped3A : memref<!tpu.dma_semaphore, #tpu.memory_space<semaphore_mem>>)
      %dma_wait3A_117 = arith.constant 0 : i32
      %dma_wait3A_118 = tpu.memref_slice %arg3[%add3A_82, %dma_wait3A_117] : memref<8192x1024xf32, #tpu.memory_space<hbm>> -> memref<32x1024xf32, #tpu.memory_space<hbm>>
      %dma_wait3A_119 = arith.constant 0 : i32
      %dma_wait3A_120 = tpu.memref_slice %arg3[%add3A_82, %dma_wait3A_119] : memref<8192x1024xf32, #tpu.memory_space<hbm>> -> memref<32x1024xf32, #tpu.memory_space<hbm>>
      tpu.wait_dma2 semaphore(%run_scoped3A : memref<!tpu.dma_semaphore, #tpu.memory_space<semaphore_mem>>) src(%arg5 : memref<32x1024xf32, #tpu.memory_space<vmem>>) dst(%dma_wait3A_120 : memref<32x1024xf32, #tpu.memory_space<hbm>>)
      tpu.yield
    }) : () -> ()
    %add3A_83 = arith.constant 224 : i32
    %add3A_84 = arith.addi %mul3A_2, %add3A_83 : i32
    %dma_start3A_85 = arith.constant 0 : i32
    %dma_start3A_86 = tpu.memref_slice %arg2[%add3A_84, %dma_start3A_85] : memref<8192x1024xf32, #tpu.memory_space<hbm>> -> memref<32x1024xf32, #tpu.memory_space<hbm>>
    %dma_start3A_87 = arith.constant 0 : i32
    %dma_start3A_88 = tpu.memref_slice %arg2[%add3A_84, %dma_start3A_87] : memref<8192x1024xf32, #tpu.memory_space<hbm>> -> memref<32x1024xf32, #tpu.memory_space<hbm>>
    tpu.enqueue_dma source(%dma_start3A_88 : memref<32x1024xf32, #tpu.memory_space<hbm>>) target(%arg5 : memref<32x1024xf32, #tpu.memory_space<vmem>>) target_semaphore(%arg8 : memref<!tpu.dma_semaphore, #tpu.memory_space<semaphore_mem>>)
    %add3A_89 = arith.constant 160 : i32
    %add3A_90 = arith.addi %mul3A_2, %add3A_89 : i32
    %dma_wait3A_91 = arith.constant 0 : i32
    %dma_wait3A_92 = tpu.memref_slice %arg2[%add3A_90, %dma_wait3A_91] : memref<8192x1024xf32, #tpu.memory_space<hbm>> -> memref<32x1024xf32, #tpu.memory_space<hbm>>
    %dma_wait3A_93 = arith.constant 0 : i32
    %dma_wait3A_94 = tpu.memref_slice %arg2[%add3A_90, %dma_wait3A_93] : memref<8192x1024xf32, #tpu.memory_space<hbm>> -> memref<32x1024xf32, #tpu.memory_space<hbm>>
    tpu.wait_dma2 semaphore(%arg9 : memref<!tpu.dma_semaphore, #tpu.memory_space<semaphore_mem>>) src(%dma_wait3A_94 : memref<32x1024xf32, #tpu.memory_space<hbm>>) dst(%arg6 : memref<32x1024xf32, #tpu.memory_space<vmem>>)
    %add3A_95 = arith.constant 160 : i32
    %add3A_96 = arith.addi %mul3A_2, %add3A_95 : i32
    "tpu.region"() ({
      %run_scoped3A = tpu.sem_alloc : memref<!tpu.dma_semaphore, #tpu.memory_space<semaphore_mem>>
      %dma_start3A_113 = arith.constant 0 : i32
      %dma_start3A_114 = tpu.memref_slice %arg3[%add3A_96, %dma_start3A_113] : memref<8192x1024xf32, #tpu.memory_space<hbm>> -> memref<32x1024xf32, #tpu.memory_space<hbm>>
      %dma_start3A_115 = arith.constant 0 : i32
      %dma_start3A_116 = tpu.memref_slice %arg3[%add3A_96, %dma_start3A_115] : memref<8192x1024xf32, #tpu.memory_space<hbm>> -> memref<32x1024xf32, #tpu.memory_space<hbm>>
      tpu.enqueue_dma source(%arg6 : memref<32x1024xf32, #tpu.memory_space<vmem>>) target(%dma_start3A_116 : memref<32x1024xf32, #tpu.memory_space<hbm>>) target_semaphore(%run_scoped3A : memref<!tpu.dma_semaphore, #tpu.memory_space<semaphore_mem>>)
      %dma_wait3A_117 = arith.constant 0 : i32
      %dma_wait3A_118 = tpu.memref_slice %arg3[%add3A_96, %dma_wait3A_117] : memref<8192x1024xf32, #tpu.memory_space<hbm>> -> memref<32x1024xf32, #tpu.memory_space<hbm>>
      %dma_wait3A_119 = arith.constant 0 : i32
      %dma_wait3A_120 = tpu.memref_slice %arg3[%add3A_96, %dma_wait3A_119] : memref<8192x1024xf32, #tpu.memory_space<hbm>> -> memref<32x1024xf32, #tpu.memory_space<hbm>>
      tpu.wait_dma2 semaphore(%run_scoped3A : memref<!tpu.dma_semaphore, #tpu.memory_space<semaphore_mem>>) src(%arg6 : memref<32x1024xf32, #tpu.memory_space<vmem>>) dst(%dma_wait3A_120 : memref<32x1024xf32, #tpu.memory_space<hbm>>)
      tpu.yield
    }) : () -> ()
    %add3A_97 = arith.constant 192 : i32
    %add3A_98 = arith.addi %mul3A_2, %add3A_97 : i32
    %dma_wait3A_99 = arith.constant 0 : i32
    %dma_wait3A_100 = tpu.memref_slice %arg2[%add3A_98, %dma_wait3A_99] : memref<8192x1024xf32, #tpu.memory_space<hbm>> -> memref<32x1024xf32, #tpu.memory_space<hbm>>
    %dma_wait3A_101 = arith.constant 0 : i32
    %dma_wait3A_102 = tpu.memref_slice %arg2[%add3A_98, %dma_wait3A_101] : memref<8192x1024xf32, #tpu.memory_space<hbm>> -> memref<32x1024xf32, #tpu.memory_space<hbm>>
    tpu.wait_dma2 semaphore(%arg7 : memref<!tpu.dma_semaphore, #tpu.memory_space<semaphore_mem>>) src(%dma_wait3A_102 : memref<32x1024xf32, #tpu.memory_space<hbm>>) dst(%arg4 : memref<32x1024xf32, #tpu.memory_space<vmem>>)
    %add3A_103 = arith.constant 192 : i32
    %add3A_104 = arith.addi %mul3A_2, %add3A_103 : i32
    "tpu.region"() ({
      %run_scoped3A = tpu.sem_alloc : memref<!tpu.dma_semaphore, #tpu.memory_space<semaphore_mem>>
      %dma_start3A_113 = arith.constant 0 : i32
      %dma_start3A_114 = tpu.memref_slice %arg3[%add3A_104, %dma_start3A_113] : memref<8192x1024xf32, #tpu.memory_space<hbm>> -> memref<32x1024xf32, #tpu.memory_space<hbm>>
      %dma_start3A_115 = arith.constant 0 : i32
      %dma_start3A_116 = tpu.memref_slice %arg3[%add3A_104, %dma_start3A_115] : memref<8192x1024xf32, #tpu.memory_space<hbm>> -> memref<32x1024xf32, #tpu.memory_space<hbm>>
      tpu.enqueue_dma source(%arg4 : memref<32x1024xf32, #tpu.memory_space<vmem>>) target(%dma_start3A_116 : memref<32x1024xf32, #tpu.memory_space<hbm>>) target_semaphore(%run_scoped3A : memref<!tpu.dma_semaphore, #tpu.memory_space<semaphore_mem>>)
      %dma_wait3A_117 = arith.constant 0 : i32
      %dma_wait3A_118 = tpu.memref_slice %arg3[%add3A_104, %dma_wait3A_117] : memref<8192x1024xf32, #tpu.memory_space<hbm>> -> memref<32x1024xf32, #tpu.memory_space<hbm>>
      %dma_wait3A_119 = arith.constant 0 : i32
      %dma_wait3A_120 = tpu.memref_slice %arg3[%add3A_104, %dma_wait3A_119] : memref<8192x1024xf32, #tpu.memory_space<hbm>> -> memref<32x1024xf32, #tpu.memory_space<hbm>>
      tpu.wait_dma2 semaphore(%run_scoped3A : memref<!tpu.dma_semaphore, #tpu.memory_space<semaphore_mem>>) src(%arg4 : memref<32x1024xf32, #tpu.memory_space<vmem>>) dst(%dma_wait3A_120 : memref<32x1024xf32, #tpu.memory_space<hbm>>)
      tpu.yield
    }) : () -> ()
    %add3A_105 = arith.constant 224 : i32
    %add3A_106 = arith.addi %mul3A_2, %add3A_105 : i32
    %dma_wait3A_107 = arith.constant 0 : i32
    %dma_wait3A_108 = tpu.memref_slice %arg2[%add3A_106, %dma_wait3A_107] : memref<8192x1024xf32, #tpu.memory_space<hbm>> -> memref<32x1024xf32, #tpu.memory_space<hbm>>
    %dma_wait3A_109 = arith.constant 0 : i32
    %dma_wait3A_110 = tpu.memref_slice %arg2[%add3A_106, %dma_wait3A_109] : memref<8192x1024xf32, #tpu.memory_space<hbm>> -> memref<32x1024xf32, #tpu.memory_space<hbm>>
    tpu.wait_dma2 semaphore(%arg8 : memref<!tpu.dma_semaphore, #tpu.memory_space<semaphore_mem>>) src(%dma_wait3A_110 : memref<32x1024xf32, #tpu.memory_space<hbm>>) dst(%arg5 : memref<32x1024xf32, #tpu.memory_space<vmem>>)
    %add3A_111 = arith.constant 224 : i32
    %add3A_112 = arith.addi %mul3A_2, %add3A_111 : i32
    "tpu.region"() ({
      %run_scoped3A = tpu.sem_alloc : memref<!tpu.dma_semaphore, #tpu.memory_space<semaphore_mem>>
      %dma_start3A_113 = arith.constant 0 : i32
      %dma_start3A_114 = tpu.memref_slice %arg3[%add3A_112, %dma_start3A_113] : memref<8192x1024xf32, #tpu.memory_space<hbm>> -> memref<32x1024xf32, #tpu.memory_space<hbm>>
      %dma_start3A_115 = arith.constant 0 : i32
      %dma_start3A_116 = tpu.memref_slice %arg3[%add3A_112, %dma_start3A_115] : memref<8192x1024xf32, #tpu.memory_space<hbm>> -> memref<32x1024xf32, #tpu.memory_space<hbm>>
      tpu.enqueue_dma source(%arg5 : memref<32x1024xf32, #tpu.memory_space<vmem>>) target(%dma_start3A_116 : memref<32x1024xf32, #tpu.memory_space<hbm>>) target_semaphore(%run_scoped3A : memref<!tpu.dma_semaphore, #tpu.memory_space<semaphore_mem>>)
      %dma_wait3A_117 = arith.constant 0 : i32
      %dma_wait3A_118 = tpu.memref_slice %arg3[%add3A_112, %dma_wait3A_117] : memref<8192x1024xf32, #tpu.memory_space<hbm>> -> memref<32x1024xf32, #tpu.memory_space<hbm>>
      %dma_wait3A_119 = arith.constant 0 : i32
      %dma_wait3A_120 = tpu.memref_slice %arg3[%add3A_112, %dma_wait3A_119] : memref<8192x1024xf32, #tpu.memory_space<hbm>> -> memref<32x1024xf32, #tpu.memory_space<hbm>>
      tpu.wait_dma2 semaphore(%run_scoped3A : memref<!tpu.dma_semaphore, #tpu.memory_space<semaphore_mem>>) src(%arg5 : memref<32x1024xf32, #tpu.memory_space<vmem>>) dst(%dma_wait3A_120 : memref<32x1024xf32, #tpu.memory_space<hbm>>)
      tpu.yield
    }) : () -> ()
    return
  }
}

</mosaic_0001>

<sc_bundles>
// kernel: kernel.3.cloned.1.call-start
scs
__scs_entry_jumppad:
0x0: {  	(pc) =	sbr.rel $0x88, $3  }
0x1: {  	(tag) =	ssettag $0x0;
	lr =	simm.s32 $0x1  }
0x2: {  	[smem:$0x3FA0] =	sst lr;
	_ =	strace $0xD0000000  }
0x3: {  	_ = 	snop  }
0x4: {  	_ = 	snop  }
0x5: {  	_ = 	snop  }
0x6: {  	_ = 	snop  }
0x7: {  	_ = 	snop  }
__scs_overlays_trampoline_lowered:
0x8: {  	[smem:$0x3FAF] =	sst s0  }
0x9: {  	[smem:$0x3FB0] =	sst s1  }
0xa: {  	[smem:$0x3FB1] =	sst s2  }
0xb: {  	[smem:$0x3FB2] =	sst s3  }
0xc: {  	[smem:$0x3FB3] =	sst s4  }
0xd: {  	[smem:$0x3FB4] =	sst s5  }
0xe: {  	[smem:$0x3FB5] =	sst s6  }
0xf: {  	[smem:$0x3FB6] =	sst s7  }
0x10: {  	[smem:$0x3FB7] =	sst s8  }
0x11: {  	[smem:$0x3FB8] =	sst s9;
	s0 =	simm.s32 @!p0 $0x0  }
0x12: {  	s1 =	sld [smem:$0x3F9E];
	s0 =	simm.s32 @p0 $0x1  }
0x13: {  	[smem:$0x3FB9] =	sst s0;
	s0 =	simm.s32 @!p1 $0x0  }
0x14: {  	s2 =	sld [smem:$0x3F9D];
	s0 =	simm.s32 @p1 $0x1  }
0x15: {  	[smem:$0x3FBA] =	sst s0;
	s0 =	simm.s32 @!p2 $0x0  }
0x16: {  	s3 =	sld [smem:$0x3FDB];
	s0 =	simm.s32 @p2 $0x1  }
0x17: {  	s4 =	simm.s32 $0x1BF5;
	[smem:$0x3FBC] =	sst s0  }
0x18: {  	s0 =	sld [smem:$0x3F9F];
	_ =	swait.ge [sflag:s4], $0x0  }
0x19: {  	s7 =	sld [smem:$0x3FA0]  }
0x1a: {  	s8 =	sadd.s32 $0xFFFFE003, lr  }
0x1b: {  	s9 =	sadd.s32 $0xFFFFFEF7, lr;
	s5 =	simm.s32 $0xFFFFFFFF;
	p2 =	slt.u32 s8, $0xFFFFF086  }
0x1c: {  	p1 =	slt.u32 s9, $0xF7A;
	s5 =	simm.s32 @!p2 $0x0  }
0x1d: {  	s5 =	simm.s32 @p1 $0x1;
	p0 =	seq.s32 s7, s2  }
0x1e: {  	s7 =	smul.u32 @!p0 $0xF7A, s2;
	p2 =	seq.s32 @!p0 s5, $0x0  }
0x1f: {  	s9 =	smul.u32 $0xF7A, s1;
	s8 =	simm.s32 @!p0 $0x1BF5;
	p2 =	por !p2, p0  }
0x20: {  	[sflag:s8] =	ssyncset.s32 @!p0 $0xFFFFF086;
	s6 =	sadd.s32 @!p0 s3, s7;
	s7 =	simm.s32 @!p0 $0x108  }
0x21: {  	s3 =	sadd.s32 s3, s9;
	s6 =	sadd.s32 @!p0 $0x88, s6;
	s7 =	simm.s32 @p2 $0x1082  }
0x22: {  	[simem:s7], [sflag:s8] =	dma.local @!p0 [hbm:s6], $0xF7A  }
0x23: {  	s9 =	sor.u32 $0xD0000000, s2;
	s6 =	simm.s32 $0x108;
	_ =	swait.ge @!p0 [sflag:s8], $0x0  }
0x24: {  	s3 =	sadd.s32 $0x88, s3;
	s6 =	simm.s32 @!p1 $0x1082;
	[sflag:s4] =	ssyncset.s32 $0xFFFFF086  }
0x25: {  	[simem:s6], [sflag:s4] =	dma.local [hbm:s3], $0xF7A  }
0x26: {  	[smem:$0x3FA0] =	sst s1;
	(tag) =	ssettag s2;
	_ =	strace s9  }
0x27: {  	s1 =	sld [smem:$0x3FB0]  }
0x28: {  	s2 =	sld [smem:$0x3FB1]  }
0x29: {  	s4 =	sld [smem:$0x3FB3]  }
0x2a: {  	p0 =	seq.s32 s5, $0x0;
	s5 =	sld [smem:$0x3FB4]  }
0x2b: {  	s6 =	sld [smem:$0x3FB5]  }
0x2c: {  	s7 =	sld [smem:$0x3FB6]  }
0x2d: {  	s3 =	simm.s32 $0x108;
	s8 =	sld [smem:$0x3FB7]  }
0x2e: {  	s3 =	simm.s32 @!p0 $0x1082;
	s9 =	sld [smem:$0x3FB8]  }
0x2f: {  	lr =	sadd.s32 s0, s3;
	s0 =	sld [smem:$0x3FAF]  }
0x30: {  	s3 =	sld [smem:$0x3FB2]  }
0x31: {  	[smem:$0x3FBB] =	sst s10  }
0x32: {  	s10 =	sld [smem:$0x3FB9];
	_ =	sdelay $0x3  }
0x33: {  	p0 =	seq.s32 s10, $0x1;
	s10 =	sld [smem:$0x3FBB];
	_ =	sdelay $0x3  }
0x34: {  	[smem:$0x3FBB] =	sst s10  }
0x35: {  	s10 =	sld [smem:$0x3FBA];
	_ =	sdelay $0x3  }
0x36: {  	p1 =	seq.s32 s10, $0x1;
	s10 =	sld [smem:$0x3FBB];
	_ =	sdelay $0x3  }
0x37: {  	[smem:$0x3FBB] =	sst s10  }
0x38: {  	s10 =	sld [smem:$0x3FBC]  }
0x39: {  	_ = 	snop;
	(pc) =	sbr.ind lr, $3  }
0x3a: {  	_ = 	snop  }
0x3b: {  	_ = 	snop  }
0x3c: {  	p2 =	seq.s32 s10, $0x1;
	s10 =	sld [smem:$0x3FBB]  }
0x3d: {  	_ =	shalt  }
0x3e: {  	_ =	shalt  }
0x3f: {  	_ =	shalt  }
0x40: {  	_ =	shalt  }
0x41: {  	_ =	shalt  }
0x42: {  	_ =	shalt  }
0x43: {  	_ =	shalt  }
0x44: {  	_ =	shalt  }
0x45: {  	_ =	shalt  }
0x46: {  	_ =	shalt  }
0x47: {  	_ =	shalt  }
0x48: {  	_ =	shalt  }
0x49: {  	_ =	shalt  }
0x4a: {  	_ =	shalt  }
0x4b: {  	_ =	shalt  }
0x4c: {  	_ =	shalt  }
0x4d: {  	_ =	shalt  }
0x4e: {  	_ =	shalt  }
0x4f: {  	_ =	shalt  }
0x50: {  	_ =	shalt  }
0x51: {  	_ =	shalt  }
0x52: {  	_ =	shalt  }
0x53: {  	_ =	shalt  }
0x54: {  	_ =	shalt  }
0x55: {  	_ =	shalt  }
0x56: {  	_ =	shalt  }
0x57: {  	_ =	shalt  }
0x58: {  	_ =	shalt  }
0x59: {  	_ =	shalt  }
0x5a: {  	_ =	shalt  }
0x5b: {  	_ =	shalt  }
0x5c: {  	_ =	shalt  }
0x5d: {  	_ =	shalt  }
0x5e: {  	_ =	shalt  }
0x5f: {  	_ =	shalt  }
0x60: {  	_ =	shalt  }
0x61: {  	_ =	shalt  }
0x62: {  	_ =	shalt  }
0x63: {  	_ =	shalt  }
0x64: {  	_ =	shalt  }
0x65: {  	_ =	shalt  }
0x66: {  	_ =	shalt  }
0x67: {  	_ =	shalt  }
0x68: {  	_ =	shalt  }
0x69: {  	_ =	shalt  }
0x6a: {  	_ =	shalt  }
0x6b: {  	_ =	shalt  }
0x6c: {  	_ =	shalt  }
0x6d: {  	_ =	shalt  }
0x6e: {  	_ =	shalt  }
0x6f: {  	_ =	shalt  }
0x70: {  	_ =	shalt  }
0x71: {  	_ =	shalt  }
0x72: {  	_ =	shalt  }
0x73: {  	_ =	shalt  }
0x74: {  	_ =	shalt  }
0x75: {  	_ =	shalt  }
0x76: {  	_ =	shalt  }
0x77: {  	_ =	shalt  }
0x78: {  	_ =	shalt  }
0x79: {  	_ =	shalt  }
0x7a: {  	_ =	shalt  }
0x7b: {  	_ =	shalt  }
0x7c: {  	_ =	shalt  }
0x7d: {  	_ =	shalt  }
0x7e: {  	_ =	shalt  }
0x7f: {  	_ =	shalt  }
0x80: {  	_ =	shalt  }
0x81: {  	_ =	shalt  }
0x82: {  	_ =	shalt  }
0x83: {  	_ =	shalt  }
0x84: {  	_ =	shalt  }
0x85: {  	_ =	shalt  }
0x86: {  	_ =	shalt  }
0x87: {  	_ =	shalt  }
.Lfunc_end0:
.L_simem_size_0:
called_computation_lowered:
.L_overlay_start_0:
0x88: {  	s2 =	sld [smem:$0x3FD9]  }
0x89: {  	s3 =	sld [smem:$0x3FFE];
	_ =	sdelay $0x1  }
0x8a: {  	s1 =	srdreg.scid  }
0x8b: {  	s0 =	sand.u32 $0x1, s1  }
0x8c: {  	s18 =	sshll.u32 s0, $0xA;
	s2 =	sadd.s32 s3, s2  }
0x8d: {  	s2 =	sadd.s32 s2, s18  }
0x8e: {  	[smem:$0x3FC7] =	sst s2  }
0x8f: {  	_ = 	snop  }
0x90: {  	s2 =	sld [smem:$0x3FC9]  }
0x91: {  	s19 =	sld [smem:$0x3FD0];
	(tm) =	ssettm $0x1  }
0x92: {  	s4 =	sld [smem:$0x3FFB];
	_ =	sdelay $0x3  }
0x93: {  	_ =	strace s4  }
0x94: {  	s4 =	sld [smem:$0x3FFC];
	_ =	sdelay $0x3  }
0x95: {  	_ =	strace s4  }
0x96: {  	s4 =	sld [smem:$0x3FFD];
	_ =	sdelay $0x3  }
0x97: {  	_ =	strace s4  }
0x98: {  	_ =	strace $0x8FFFFFFF  }
0x99: {  	s20 =	sld [smem:$0x3FDB];
	_ =	sdelay $0x1  }
0x9a: {  	s5 =	simm.s32 $_scs_section_size  }
0x9b: {  	s6 =	simm.s32 $_size__tile_overlayer_lowered;
	s7 =	simm.s32 $_tile_overlayer_lowered  }
0x9c: {  	s23 =	simm.s32 $0x1BFF;
	s22 =	sshll.u32 s7, $0x1;
	s4 =	sadd.s32 s5, s20  }
0x9d: {  	s8 =	simm.s32 $0x0;
	s21 =	sshll.u32 s6, $0x1;
	s6 =	sadd.s32 s22, s4  }
0x9e: {  	[timem:s8], [sflag:s23] =	dma.local [hbm:s6], s21  }
0x9f: {  	_ =	swait.ge [sflag:s23], s21  }
0xa0: {  	s5 =	ssub.s32 $0x0, s21;
	[sflag:s23] =	ssyncset.done $0x0  }
0xa1: {  	[sflag:s23] =	ssyncadd.s32 s5;
	_ =	sdelay $0x1  }
0xa2: {  	s24 =	simm.s32 $0x1B8B  }
0xa3: {  	_ =	swait.ge [sflag:s24], $0x1  }
0xa4: {  	[sflag:s24] =	ssyncset.done $0x0  }
0xa5: {  	s25 =	simm.s32 $0x1B8E;
	[sflag:s24] =	ssyncadd.s32 $0xFFFFFFFF  }
0xa6: {  	s26 =	simm.s32 $execute0_lowered;
	[smem:$0x3FD2] =	sst s25  }
0xa7: {  	s5 =	sshll.u32 s26, $0x1;
	_ =	strace $0x80000046;
	[dreg:$0x1] =	wrdreg $0xFFFFFFFF  }
0xa8: {  	s28 =	simm.s32 $_size_execute0_lowered;
	s4 =	sadd.s32 s4, s5;
	[dreg:$0x0] =	wrdreg $0x0  }
0xa9: {  	s5 =	sshll.u32 s28, $0x1;
	[dreg:$0x2] =	wrdreg s4  }
0xaa: {  	[dreg:$0x3] =	wrdreg s5  }
0xab: {  	[dreg:$0x4] =	wrdreg $0xC0  }
0xac: {  	_ =	task [dreg:s8], $0x5FFFF  }
0xad: {  	[dreg:$0x1] =	wrdreg $0xFFFFFFFF  }
0xae: {  	[dreg:$0x0] =	wrdreg $0x60  }
0xaf: {  	[dreg:$0x2] =	wrdreg s2  }
0xb0: {  	[dreg:$0x3] =	wrdreg s19  }
0xb1: {  	[dreg:$0x4] =	wrdreg $0x9  }
0xb2: {  	_ =	task.clear_ibuf [dreg:s8], $0x5FFFF;
	_ =	strace $0x90000046  }
0xb3: {  	s29 =	simm.s32 $0x9;
	_ =	strace $0x80000048  }
0xb4: {  	_ =	swait.ge [sflag:s29], $0x1  }
0xb5: {  	[sflag:s29] =	ssyncadd.s32 $0xFFFFFFFF  }
0xb6: {  	_ =	strace $0x90000048  }
0xb7: {  	_ =	sfence  }
0xb8: {  	s30 =	sld [smem:$0x0];
	_ =	sdelay $0x2  }
0xb9: {  	s31 =	sshll.u32 s1, $0xD;
	s1 =	sshrl.u32 s1, $0x2  }
0xba: {  	s3 =	sand.u32 $0x4000, s31;
	s1 =	sadd.s32 s1, s30  }
0xbb: {  	s0 =	sor.u32 s3, s0;
	s1 =	sshll.u32 s1, $0x11  }
0xbc: {  	s0 =	sor.u32 s1, s0  }
0xbd: {  	s0 =	sadd.s32 $0x8F2B, s0  }
0xbe: {  	[sflag:s0] =	ssyncadd.remote.s32 $0x1  }
0xbf: {  	_ =	sfence.sel $0xFFFF  }
0xc0: {  	[dreg:$0x0] =	wrdreg $0xFFFFFFFF;
	(pc) =	sbr.abs _section_cstart, $3  }
0xc1: {  	[dreg:$0x1] =	wrdreg $0xFFFFFFFF  }
0xc2: {  	_ =	task.clear_ibuf [dreg:s8], $0x2FFFF;
	_ =	strace $0x9FFFFFFF  }
0xc3: {  	(tm) =	ssettm $0x7FFFFFFF  }
tec
execute0_lowered:
.L_overlay_start_1:
0x0: {  	(tag) =	ssettag $0x1  }
0x1: {  	s21 =	rddreg [dreg:$0x0]  }
0x2: {  	s24 =	rddreg [dreg:$0x1];
	s2 =	srdreg.scid  }
0x3: {  	s0 =	rddreg [dreg:$0x2];
	s1 =	stileid.u32;
	s25 =	sand.u32 $0x1, s2  }
0x4: {  	s2 =	simm.s32 $0x0;
	s3 =	sshll.u32 s1, $0x10;
	s4 =	sshll.u32 s25, $0xF  }
0x5: {  	[smem:$0x7FF] =	sst s2;
	s22 =	sor.u32 s4, s3  }
0x6: {  	_ =	strace $0x80000047;
	s3 =	sadd.s32 s21, s22;
	s13 =	sor.u32 $0x1000, s22  }
0x7: {  	[tilespmem:s2], [sflag:$0x1] =	stream.linear.gather [hbm4b:s3+s2], $0x8000, $0x38;
	[tilespmem:$0x18000] =	vst v63  }
0x8: {  	s5 =	simm.s32 $0x8000;
	s16 =	sor.u32 $0x2000, s22;
	s4 =	sadd.s32 s21, s13  }
0x9: {  	[tilespmem:s5], [sflag:$0x2] =	stream.linear.gather [hbm4b:s4+s2], $0x8000, $0x38;
	[tilespmem:$0x18000] =	vst v63  }
0xa: {  	s7 =	simm.s32 $0x10000;
	s8 =	simm.s32 $0x1;
	s6 =	sadd.s32 s21, s16  }
0xb: {  	[tilespmem:s7], [sflag:$0x3] =	stream.linear.gather [hbm4b:s6+s2], $0x8000, $0x38;
	[tilespmem:$0x18000] =	vst v63  }
0xc: {  	_ =	swait.ge [sflag:s8], $0x8000  }
0xd: {  	[sflag:s8] =	ssyncset.done $0x0  }
0xe: {  	s9 =	simm.s32 $0x4;
	s10 =	sadd.s32 s24, s22;
	[sflag:s8] =	ssyncadd.s32 $0xFFFF8000  }
0xf: {  	[hbm4b:s10+s2] =	stream.linear.scatter [tilespmem:s2], [sflag:$0x4], $0x8000, $0x38;
	[tilespmem:$0x18000] =	vst v63  }
0x10: {  	_ =	swait.ge [sflag:s9], $0x8000  }
0x11: {  	s18 =	sor.u32 $0x3000, s22;
	[sflag:s9] =	ssyncset.done $0x0  }
0x12: {  	s12 =	simm.s32 $0x2;
	s11 =	sadd.s32 s21, s18;
	[sflag:s9] =	ssyncadd.s32 $0xFFFF8000  }
0x13: {  	[tilespmem:s2], [sflag:$0x1] =	stream.linear.gather [hbm4b:s11+s2], $0x8000, $0x38;
	[tilespmem:$0x18000] =	vst v63  }
0x14: {  	_ =	swait.ge [sflag:s12], $0x8000  }
0x15: {  	[sflag:s12] =	ssyncset.done $0x0  }
0x16: {  	s13 =	sadd.s32 s24, s13;
	[sflag:s12] =	ssyncadd.s32 $0xFFFF8000  }
0x17: {  	[hbm4b:s13+s2] =	stream.linear.scatter [tilespmem:s5], [sflag:$0x4], $0x8000, $0x38;
	[tilespmem:$0x18000] =	vst v63  }
0x18: {  	_ =	swait.ge [sflag:s9], $0x8000  }
0x19: {  	s20 =	sor.u32 $0x4000, s22;
	[sflag:s9] =	ssyncset.done $0x0  }
0x1a: {  	s15 =	simm.s32 $0x3;
	s14 =	sadd.s32 s21, s20;
	[sflag:s9] =	ssyncadd.s32 $0xFFFF8000  }
0x1b: {  	[tilespmem:s5], [sflag:$0x2] =	stream.linear.gather [hbm4b:s14+s2], $0x8000, $0x38;
	[tilespmem:$0x18000] =	vst v63  }
0x1c: {  	_ =	swait.ge [sflag:s15], $0x8000  }
0x1d: {  	[sflag:s15] =	ssyncset.done $0x0  }
0x1e: {  	s16 =	sadd.s32 s24, s16;
	[sflag:s15] =	ssyncadd.s32 $0xFFFF8000  }
0x1f: {  	[hbm4b:s16+s2] =	stream.linear.scatter [tilespmem:s7], [sflag:$0x4], $0x8000, $0x38;
	[tilespmem:$0x18000] =	vst v63  }
0x20: {  	_ =	swait.ge [sflag:s9], $0x8000  }
0x21: {  	s23 =	sor.u32 $0x5000, s22;
	[sflag:s9] =	ssyncset.done $0x0  }
0x22: {  	s17 =	sadd.s32 s21, s23;
	[sflag:s9] =	ssyncadd.s32 $0xFFFF8000  }
0x23: {  	[tilespmem:s7], [sflag:$0x3] =	stream.linear.gather [hbm4b:s17+s2], $0x8000, $0x38;
	[tilespmem:$0x18000] =	vst v63  }
0x24: {  	_ =	swait.ge [sflag:s8], $0x8000  }
0x25: {  	[sflag:s8] =	ssyncset.done $0x0  }
0x26: {  	s18 =	sadd.s32 s24, s18;
	[sflag:s8] =	ssyncadd.s32 $0xFFFF8000  }
0x27: {  	[hbm4b:s18+s2] =	stream.linear.scatter [tilespmem:s2], [sflag:$0x4], $0x8000, $0x38;
	[tilespmem:$0x18000] =	vst v63  }
0x28: {  	_ =	swait.ge [sflag:s9], $0x8000  }
0x29: {  	s26 =	sor.u32 $0x6000, s22;
	[sflag:s9] =	ssyncset.done $0x0  }
0x2a: {  	s19 =	sadd.s32 s21, s26;
	[sflag:s9] =	ssyncadd.s32 $0xFFFF8000  }
0x2b: {  	[tilespmem:s2], [sflag:$0x1] =	stream.linear.gather [hbm4b:s19+s2], $0x8000, $0x38;
	[tilespmem:$0x18000] =	vst v63  }
0x2c: {  	_ =	swait.ge [sflag:s12], $0x8000  }
0x2d: {  	[sflag:s12] =	ssyncset.done $0x0  }
0x2e: {  	s20 =	sadd.s32 s24, s20;
	[sflag:s12] =	ssyncadd.s32 $0xFFFF8000  }
0x2f: {  	[hbm4b:s20+s2] =	stream.linear.scatter [tilespmem:s5], [sflag:$0x4], $0x8000, $0x38;
	[tilespmem:$0x18000] =	vst v63  }
0x30: {  	_ =	swait.ge [sflag:s9], $0x8000  }
0x31: {  	s28 =	sor.u32 $0x7000, s22;
	[sflag:s9] =	ssyncset.done $0x0  }
0x32: {  	s21 =	sadd.s32 s21, s28;
	[sflag:s9] =	ssyncadd.s32 $0xFFFF8000  }
0x33: {  	[tilespmem:s5], [sflag:$0x2] =	stream.linear.gather [hbm4b:s21+s2], $0x8000, $0x38;
	[tilespmem:$0x18000] =	vst v63  }
0x34: {  	_ =	swait.ge [sflag:s15], $0x8000  }
0x35: {  	[sflag:s15] =	ssyncset.done $0x0  }
0x36: {  	s22 =	sadd.s32 s24, s23;
	[sflag:s15] =	ssyncadd.s32 $0xFFFF8000  }
0x37: {  	[hbm4b:s22+s2] =	stream.linear.scatter [tilespmem:s7], [sflag:$0x4], $0x8000, $0x38;
	[tilespmem:$0x18000] =	vst v63  }
0x38: {  	_ =	swait.ge [sflag:s9], $0x8000  }
0x39: {  	[sflag:s9] =	ssyncset.done $0x0  }
0x3a: {  	[sflag:s9] =	ssyncadd.s32 $0xFFFF8000  }
0x3b: {  	_ =	swait.ge [sflag:s8], $0x8000  }
0x3c: {  	[sflag:s8] =	ssyncset.done $0x0  }
0x3d: {  	s25 =	ssub.s32 $0x2, s25;
	s23 =	sadd.s32 s24, s26;
	[sflag:s8] =	ssyncadd.s32 $0xFFFF8000  }
0x3e: {  	[hbm4b:s23+s2] =	stream.linear.scatter [tilespmem:s2], [sflag:$0x4], $0x8000, $0x38;
	[tilespmem:$0x18000] =	vst v63  }
0x3f: {  	s31 =	sshrl.u32 s25, $0x1;
	_ =	swait.ge [sflag:s9], $0x8000  }
0x40: {  	s25 =	ssub.s32 s25, s31;
	[sflag:s9] =	ssyncset.done $0x0  }
0x41: {  	s25 =	smax.u32 s25, $0x1;
	[sflag:s9] =	ssyncadd.s32 $0xFFFF8000  }
0x42: {  	p0 =	sne.s32 s25, $0x1;
	_ =	swait.ge [sflag:s12], $0x8000  }
.Ltmp0:
0x43: {  	[sflag:s12] =	ssyncset.done $0x0;
	(pc) =	sbr.rel @!p0 .LBB2_2-.Ltmp0, $4  }
0x44: {  	s24 =	sadd.s32 s24, s28;
	[sflag:s12] =	ssyncadd.s32 $0xFFFF8000  }
0x45: {  	[hbm4b:s24+s2] =	stream.linear.scatter [tilespmem:s5], [sflag:$0x4], $0x8000, $0x38;
	[tilespmem:$0x18000] =	vst v63  }
0x46: {  	_ =	swait.ge [sflag:s9], $0x8000  }
0x47: {  	s25 =	sadd.s32 $0xFFFFFFFF, s25;
	[sflag:s9] =	ssyncset.done $0x0  }
.LBB2_1:
0x48: {  	p0 =	sne.s32 s25, $0x1;
	s25 =	sadd.s32 $0xFFFFFFFF, s25;
	[sflag:s9] =	ssyncadd.s32 $0xFFFF8000  }
0x49: {  	[tilespmem:s2], [sflag:$0x1] =	stream.linear.gather [hbm4b:s3+s2], $0x8000, $0x38;
	[tilespmem:$0x18000] =	vst v63  }
0x4a: {  	_ = 	snop  }
0x4b: {  	[tilespmem:s5], [sflag:$0x2] =	stream.linear.gather [hbm4b:s4+s2], $0x8000, $0x38;
	[tilespmem:$0x18000] =	vst v63  }
0x4c: {  	_ = 	snop  }
0x4d: {  	[tilespmem:s7], [sflag:$0x3] =	stream.linear.gather [hbm4b:s6+s2], $0x8000, $0x38;
	[tilespmem:$0x18000] =	vst v63  }
0x4e: {  	_ =	swait.ge [sflag:s8], $0x8000  }
0x4f: {  	[sflag:s8] =	ssyncset.done $0x0  }
0x50: {  	[sflag:s8] =	ssyncadd.s32 $0xFFFF8000  }
0x51: {  	[hbm4b:s10+s2] =	stream.linear.scatter [tilespmem:s2], [sflag:$0x4], $0x8000, $0x38;
	[tilespmem:$0x18000] =	vst v63  }
0x52: {  	_ =	swait.ge [sflag:s9], $0x8000  }
0x53: {  	[sflag:s9] =	ssyncset.done $0x0  }
0x54: {  	[sflag:s9] =	ssyncadd.s32 $0xFFFF8000  }
0x55: {  	[tilespmem:s2], [sflag:$0x1] =	stream.linear.gather [hbm4b:s11+s2], $0x8000, $0x38;
	[tilespmem:$0x18000] =	vst v63  }
0x56: {  	_ =	swait.ge [sflag:s12], $0x8000  }
0x57: {  	[sflag:s12] =	ssyncset.done $0x0  }
0x58: {  	[sflag:s12] =	ssyncadd.s32 $0xFFFF8000  }
0x59: {  	[hbm4b:s13+s2] =	stream.linear.scatter [tilespmem:s5], [sflag:$0x4], $0x8000, $0x38;
	[tilespmem:$0x18000] =	vst v63  }
0x5a: {  	_ =	swait.ge [sflag:s9], $0x8000  }
0x5b: {  	[sflag:s9] =	ssyncset.done $0x0  }
0x5c: {  	[sflag:s9] =	ssyncadd.s32 $0xFFFF8000  }
0x5d: {  	[tilespmem:s5], [sflag:$0x2] =	stream.linear.gather [hbm4b:s14+s2], $0x8000, $0x38;
	[tilespmem:$0x18000] =	vst v63  }
0x5e: {  	_ =	swait.ge [sflag:s15], $0x8000  }
0x5f: {  	[sflag:s15] =	ssyncset.done $0x0  }
0x60: {  	[sflag:s15] =	ssyncadd.s32 $0xFFFF8000  }
0x61: {  	[hbm4b:s16+s2] =	stream.linear.scatter [tilespmem:s7], [sflag:$0x4], $0x8000, $0x38;
	[tilespmem:$0x18000] =	vst v63  }
0x62: {  	_ =	swait.ge [sflag:s9], $0x8000  }
0x63: {  	[sflag:s9] =	ssyncset.done $0x0  }
0x64: {  	[sflag:s9] =	ssyncadd.s32 $0xFFFF8000  }
0x65: {  	[tilespmem:s7], [sflag:$0x3] =	stream.linear.gather [hbm4b:s17+s2], $0x8000, $0x38;
	[tilespmem:$0x18000] =	vst v63  }
0x66: {  	_ =	swait.ge [sflag:s8], $0x8000  }
0x67: {  	[sflag:s8] =	ssyncset.done $0x0  }
0x68: {  	[sflag:s8] =	ssyncadd.s32 $0xFFFF8000  }
0x69: {  	[hbm4b:s18+s2] =	stream.linear.scatter [tilespmem:s2], [sflag:$0x4], $0x8000, $0x38;
	[tilespmem:$0x18000] =	vst v63  }
0x6a: {  	_ =	swait.ge [sflag:s9], $0x8000  }
0x6b: {  	[sflag:s9] =	ssyncset.done $0x0  }
0x6c: {  	[sflag:s9] =	ssyncadd.s32 $0xFFFF8000  }
0x6d: {  	[tilespmem:s2], [sflag:$0x1] =	stream.linear.gather [hbm4b:s19+s2], $0x8000, $0x38;
	[tilespmem:$0x18000] =	vst v63  }
0x6e: {  	_ =	swait.ge [sflag:s12], $0x8000  }
0x6f: {  	[sflag:s12] =	ssyncset.done $0x0  }
0x70: {  	[sflag:s12] =	ssyncadd.s32 $0xFFFF8000  }
0x71: {  	[hbm4b:s20+s2] =	stream.linear.scatter [tilespmem:s5], [sflag:$0x4], $0x8000, $0x38;
	[tilespmem:$0x18000] =	vst v63  }
0x72: {  	_ =	swait.ge [sflag:s9], $0x8000  }
0x73: {  	[sflag:s9] =	ssyncset.done $0x0  }
0x74: {  	[sflag:s9] =	ssyncadd.s32 $0xFFFF8000  }
0x75: {  	[tilespmem:s5], [sflag:$0x2] =	stream.linear.gather [hbm4b:s21+s2], $0x8000, $0x38;
	[tilespmem:$0x18000] =	vst v63  }
0x76: {  	_ =	swait.ge [sflag:s15], $0x8000  }
0x77: {  	[sflag:s15] =	ssyncset.done $0x0  }
0x78: {  	[sflag:s15] =	ssyncadd.s32 $0xFFFF8000  }
0x79: {  	[hbm4b:s22+s2] =	stream.linear.scatter [tilespmem:s7], [sflag:$0x4], $0x8000, $0x38;
	[tilespmem:$0x18000] =	vst v63  }
0x7a: {  	_ =	swait.ge [sflag:s9], $0x8000  }
0x7b: {  	[sflag:s9] =	ssyncset.done $0x0  }
0x7c: {  	[sflag:s9] =	ssyncadd.s32 $0xFFFF8000  }
0x7d: {  	_ =	swait.ge [sflag:s8], $0x8000  }
0x7e: {  	[sflag:s8] =	ssyncset.done $0x0  }
0x7f: {  	[sflag:s8] =	ssyncadd.s32 $0xFFFF8000  }
0x80: {  	[hbm4b:s23+s2] =	stream.linear.scatter [tilespmem:s2], [sflag:$0x4], $0x8000, $0x38;
	[tilespmem:$0x18000] =	vst v63  }
0x81: {  	_ =	swait.ge [sflag:s9], $0x8000  }
0x82: {  	[sflag:s9] =	ssyncset.done $0x0  }
0x83: {  	[sflag:s9] =	ssyncadd.s32 $0xFFFF8000  }
0x84: {  	_ =	swait.ge [sflag:s12], $0x8000  }
.Ltmp1:
0x85: {  	[sflag:s12] =	ssyncset.done $0x0;
	(pc) =	sbr.rel @p0 .LBB2_1-.Ltmp1, $4  }
0x86: {  	[sflag:s12] =	ssyncadd.s32 $0xFFFF8000  }
0x87: {  	[hbm4b:s24+s2] =	stream.linear.scatter [tilespmem:s5], [sflag:$0x4], $0x8000, $0x38;
	[tilespmem:$0x18000] =	vst v63  }
0x88: {  	_ =	swait.ge [sflag:s9], $0x8000  }
0x89: {  	[sflag:s9] =	ssyncset.done $0x0  }
.LBB2_2:
0x8a: {  	[sflag:s9] =	ssyncadd.s32 $0xFFFF8000  }
0x8b: {  	_ =	sfence.sel $0x180000  }
0x8c: {  	[bflag:$0x0] =	sbarrier.arrive $0xFFFF  }
0x8d: {  	p0 =	sne.s32 s1, $0x0;
	_ =	strace $0x90000047  }
0x8e: {  	s0 =	sadd.s32 @!p0 $0x100000, s0;
	[bflag:$0x2] =	sbarrier.arrive $0xFFFF  }
0x8f: {  	[sflag:s0] =	ssyncadd.tile.s32 @!p0 $0x1;
	_ =	shalt  }
.Lfunc_end2:
_tile_overlayer_lowered:
.L_overlay_start_2:
0x90: {  	(tag) =	ssettag $0x2  }
0x91: {  	s0 =	rddreg [dreg:$0x0];
	s2 =	stileid.u32  }
0x92: {  	s1 =	rddreg [dreg:$0x1];
	p0 =	sne.s32 s2, $0x0  }
0x93: {  	s3 =	rddreg [dreg:$0x2];
	[bflag:$0x3] =	sbarrier.arrive $0xFFFF;
	s2 =	simm.s32 @!p0 $0x1C04  }
0x94: {  	[timem:s3], [sflag:s2] =	dma.local @!p0 [hbm:s0], s1  }
0x95: {  	s0 =	simm.s32 @!p0 $0x4  }
0x96: {  	_ =	swait.ge @!p0 [sflag:s0], s1  }
0x97: {  	s1 =	ssub.s32 @!p0 $0x0, s1;
	[sflag:s0] =	ssyncset.done @!p0 $0x0  }
0x98: {  	[sflag:s0] =	ssyncadd.s32 @!p0 s1  }
0x99: {  	[bflag:$0x3] =	sbarrier.arrive $0xFFFF  }
0x9a: {  	_ =	shalt  }

</sc_bundles>
